<compile_context>
chip_gen: v7x
topology: tpu7x:2x2x1
jax: 0.10.2.dev20260603
libtpu: 0.0.44.dev20260713+nightly
codegen_flags: <defaults>
</compile_context>

<pallas_src>
import functools

import numpy as np
import jax
import jax.numpy as jnp
from jax import lax
from jax.experimental import pallas as pl
from jax.experimental.pallas import tpu as pltpu
from jax.experimental.pallas import tpu_sc as plsc

_N = 16777216
_L = 16
_NC = 2
_NS = 16
_NW = _NC * _NS
_PER_W = _N // _NW
_CHUNK = 16384
_NCHUNK = _PER_W // _CHUNK

_LO = -10.0
_HI = 4.0
_STEP = 0.875
_INV = 1.0 / 0.875
_BIAS = 10.0 / 0.875
_C = float(np.expm1(0.875))
_UMAX = float(np.nextafter(np.float32(16.0), np.float32(0.0)))


def _vgather(vec, idx):
    return lax.gather(
        vec,
        idx.reshape(_L, 1),
        lax.GatherDimensionNumbers(
            offset_dims=(), collapsed_slice_dims=(0,), start_index_map=(0,)),
        slice_sizes=(1,),
        mode=lax.GatherScatterMode.PROMISE_IN_BOUNDS,
    )


def _compute(xv, tab, slope):
    u = xv * _INV + _BIAS
    u = jnp.minimum(u, _UMAX)
    idx = u.astype(jnp.int32)
    return u * _vgather(slope, idx) + _vgather(tab, idx)


def _body(x_hbm, o_hbm, xb0, xb1, ob0, ob1, si0, si1, so0, so1):
    wid = lax.axis_index("s") * _NC + lax.axis_index("c")
    base = wid * _PER_W
    ramp = lax.iota(jnp.int32, 16).astype(jnp.float32)
    t0 = -jnp.exp(ramp * _STEP + _LO)
    slope = t0 * _C
    tab = t0 - ramp * slope
    xbufs = (xb0, xb1)
    obufs = (ob0, ob1)
    sins = (si0, si1)
    souts = (so0, so1)

    def in_copy(g, b):
        return pltpu.make_async_copy(
            x_hbm.at[pl.ds(base + g * _CHUNK, _CHUNK)], xbufs[b], sins[b])

    def out_copy(g, b):
        return pltpu.make_async_copy(
            obufs[b], o_hbm.at[pl.ds(base + g * _CHUNK, _CHUNK)], souts[b])

    in_copy(0, 0).start()

    @pl.loop(0, _NCHUNK, step=2)
    def _chunks(g):
        for b in range(2):
            gg = g + b

            @pl.when(gg + 1 < _NCHUNK)
            def _():
                in_copy(gg + 1, 1 - b).start()

            in_copy(gg, b).wait()

            @pl.when(gg >= 2)
            def _():
                out_copy(gg - 2, b).wait()

            @plsc.parallel_loop(0, _CHUNK // _L, unroll=8)
            def _vec(i):
                s = pl.ds(i * _L, _L)
                obufs[b][s] = _compute(xbufs[b][s], tab, slope)

            out_copy(gg, b).start()

    out_copy(_NCHUNK - 2, 0).wait()
    out_copy(_NCHUNK - 1, 1).wait()


_sc_map = functools.partial(
    pl.kernel,
    out_type=jax.ShapeDtypeStruct((_N,), jnp.float32),
    mesh=plsc.VectorSubcoreMesh(core_axis_name="c", subcore_axis_name="s"),
    scratch_types=(
        [pltpu.VMEM((_CHUNK,), jnp.float32)] * 4
        + [pltpu.SemaphoreType.DMA] * 4
    ),
)(_body)


@jax.jit
def kernel(x):
    with jax.enable_x64(False):
        return _sc_map(x)

# --- scband reference (transcript-rebuilt; emitter-appended) ---
"""Pipeline reference for scband-approx-exp16-fxp-48644799594812 (READ-ONLY COPY).

The authoritative reference and input builder live on the scoring server;
editing this copy changes nothing except your own understanding.
"""

import jax, jax.numpy as jnp
import numpy as np

jax.config.update("jax_enable_x64", True)

IN_FRAC = 13
OUT_FRAC = 16


def _tables():
    x_pts_fp = jnp.linspace(-10.0, 4.0, 17, dtype=jnp.float32)
    exp_vals_fp = jnp.exp(x_pts_fp)
    x_pts = jnp.round(x_pts_fp * (1 << IN_FRAC)).astype(jnp.int32)
    exp_vals = jnp.round(exp_vals_fp * (1 << OUT_FRAC)).astype(jnp.int64)
    return x_pts, exp_vals


def setup_inputs(seed: int = 0) -> dict:
    key = jax.random.key(seed)
    x = jax.random.normal(key, (16777216,), dtype=jnp.float32)
    return {"x": x}


def _forward(x):
    x_pts, exp_vals = _tables()
    x_int = jnp.round(x * (1 << IN_FRAC)).astype(jnp.int32)
    min_x = x_pts[0]
    max_x = x_pts[-1]
    mask_low = x_int <= min_x
    mask_high = x_int >= max_x
    x_clamped = jnp.clip(x_int, min_x, max_x)
    # torch.bucketize(..., right=False) == searchsorted side='left'
    idx = jnp.searchsorted(x_pts, x_clamped, side="left") - 1
    idx = jnp.clip(idx, 0, x_pts.shape[0] - 2)
    x0 = x_pts[idx]
    x1 = x_pts[idx + 1]
    y0 = exp_vals[idx]
    y1 = exp_vals[idx + 1]
    dx = (x_clamped - x0).astype(jnp.int64)
    dx_total = jnp.maximum(x1 - x0, 1).astype(jnp.int64)
    t_fx = ((dx << OUT_FRAC) + dx_total // 2) // dx_total
    dy = y1 - y0
    # torch precedence: y0 + ((t_fx * dy + (1 << (out_frac - 1))) >> out_frac)
    interp = y0 + ((t_fx * dy + (1 << (OUT_FRAC - 1))) >> OUT_FRAC)
    out_int = jnp.where(mask_low, 0, jnp.where(mask_high, exp_vals[-1], interp))
    return -out_int.astype(jnp.float32) / (1 << OUT_FRAC)


def reference(x):
    return _forward(x)

if __name__ == "__main__":
    import jax
    _d = setup_inputs()
    print(jax.jit(kernel)(*tuple(_d.values())))

</pallas_src>

<mosaic_0001>
#map = affine_map<(d0, d1) -> (0)>
module attributes {stable_mosaic.version = 14 : i64} {
  func.func @_body(%arg0: i32, %arg1: i32, %arg2: memref<16777216xf32, #tpu.memory_space<hbm>>, %arg3: memref<16777216xf32, #tpu.memory_space<hbm>>, %arg4: memref<16384xf32, #tpu.memory_space<vmem>>, %arg5: memref<16384xf32, #tpu.memory_space<vmem>>, %arg6: memref<16384xf32, #tpu.memory_space<vmem>>, %arg7: memref<16384xf32, #tpu.memory_space<vmem>>, %arg8: memref<!tpu.dma_semaphore, #tpu.memory_space<semaphore_mem>>, %arg9: memref<!tpu.dma_semaphore, #tpu.memory_space<semaphore_mem>>, %arg10: memref<!tpu.dma_semaphore, #tpu.memory_space<semaphore_mem>>, %arg11: memref<!tpu.dma_semaphore, #tpu.memory_space<semaphore_mem>>) attributes {dimension_semantics = [#tpu.dimension_semantics<core_parallel>, #tpu.dimension_semantics<subcore_parallel>], iteration_bounds = array<i64: 2, 16>, scalar_prefetch = 0 : i64, scratch_operands = 8 : i64, tpu.core_type = #tpu.core_type<sc_vector_subcore>, window_params = [{transform_indices = #map}, {transform_indices = #map}]} {
    %mul3A = arith.constant 2 : i32
    %mul3A_0 = arith.muli %arg1, %mul3A : i32
    %add3A = arith.addi %mul3A_0, %arg0 : i32
    %mul3A_1 = arith.constant 524288 : i32
    %mul3A_2 = arith.muli %add3A, %mul3A_1 : i32
    %iota3A = tpu.iota {dimensions = array<i32: 0>} : vector<16xi32>
    %convert_element_type3A = arith.sitofp %iota3A : vector<16xi32> to vector<16xf32>
    %mul3A_3 = arith.constant 8.750000e-01 : f32
    %mul3A_4 = vector.broadcast %mul3A_3 : f32 to vector<16xf32>
    %mul3A_5 = arith.mulf %convert_element_type3A, %mul3A_4 : vector<16xf32>
    %add3A_6 = arith.constant -1.000000e+01 : f32
    %add3A_7 = vector.broadcast %add3A_6 : f32 to vector<16xf32>
    %add3A_8 = arith.addf %mul3A_5, %add3A_7 : vector<16xf32>
    %exp3A = math.exp %add3A_8 : vector<16xf32>
    %neg3A = arith.constant 0.000000e+00 : f32
    %neg3A_9 = vector.broadcast %neg3A : f32 to vector<16xf32>
    %neg3A_10 = arith.subf %neg3A_9, %exp3A : vector<16xf32>
    %mul3A_11 = arith.constant 1.39887524 : f32
    %mul3A_12 = vector.broadcast %mul3A_11 : f32 to vector<16xf32>
    %mul3A_13 = arith.mulf %neg3A_10, %mul3A_12 : vector<16xf32>
    %mul3A_14 = arith.mulf %convert_element_type3A, %mul3A_13 : vector<16xf32>
    %sub3A = arith.subf %neg3A_10, %mul3A_14 : vector<16xf32>
    %add3A_15 = arith.constant 0 : i32
    %add3A_16 = arith.addi %mul3A_2, %add3A_15 : i32
    %dma_start3A = tpu.memref_slice %arg2[%add3A_16] : memref<16777216xf32, #tpu.memory_space<hbm>> -> memref<16384xf32, #tpu.memory_space<hbm>>
    %dma_start3A_17 = tpu.memref_slice %arg2[%add3A_16] : memref<16777216xf32, #tpu.memory_space<hbm>> -> memref<16384xf32, #tpu.memory_space<hbm>>
    tpu.enqueue_dma source(%dma_start3A_17 : memref<16384xf32, #tpu.memory_space<hbm>>) target(%arg4 : memref<16384xf32, #tpu.memory_space<vmem>>) target_semaphore(%arg8 : memref<!tpu.dma_semaphore, #tpu.memory_space<semaphore_mem>>)
    %scan3A = arith.constant 0 : i32
    %scan3A_18 = arith.constant 16 : i32
    %scan3A_19 = arith.addi %scan3A, %scan3A_18 : i32
    %scan3A_20 = arith.constant 1 : i32
    scf.for %scan3A_29 = %scan3A to %scan3A_19 step %scan3A_20  : i32 {
      %mul3A_30 = arith.constant 2 : i32
      %mul3A_31 = arith.muli %scan3A_29, %mul3A_30 : i32
      %add3A_32 = arith.constant 0 : i32
      %add3A_33 = arith.addi %add3A_32, %mul3A_31 : i32
      %add3A_34 = arith.constant 0 : i32
      %add3A_35 = arith.addi %add3A_33, %add3A_34 : i32
      %add3A_36 = arith.constant 1 : i32
      %add3A_37 = arith.addi %add3A_35, %add3A_36 : i32
      %lt3A = arith.constant 32 : i32
      %lt3A_38 = arith.cmpi slt, %add3A_37, %lt3A : i32
      %convert_element_type3A_39 = arith.extui %lt3A_38 : i1 to i32
      %cond3A = arith.constant 0 : i32
      %cond3A_40 = arith.cmpi ne, %convert_element_type3A_39, %cond3A : i32
      scf.if %cond3A_40 {
        %add3A_84 = arith.constant 1 : i32
        %add3A_85 = arith.addi %add3A_35, %add3A_84 : i32
        %mul3A_86 = arith.constant 16384 : i32
        %mul3A_87 = arith.muli %add3A_85, %mul3A_86 : i32
        %add3A_88 = arith.addi %mul3A_2, %mul3A_87 : i32
        %dma_start3A_89 = tpu.memref_slice %arg2[%add3A_88] : memref<16777216xf32, #tpu.memory_space<hbm>> -> memref<16384xf32, #tpu.memory_space<hbm>>
        %dma_start3A_90 = tpu.memref_slice %arg2[%add3A_88] : memref<16777216xf32, #tpu.memory_space<hbm>> -> memref<16384xf32, #tpu.memory_space<hbm>>
        tpu.enqueue_dma source(%dma_start3A_90 : memref<16384xf32, #tpu.memory_space<hbm>>) target(%arg5 : memref<16384xf32, #tpu.memory_space<vmem>>) target_semaphore(%arg9 : memref<!tpu.dma_semaphore, #tpu.memory_space<semaphore_mem>>)
      } else {
      }
      %mul3A_41 = arith.constant 16384 : i32
      %mul3A_42 = arith.muli %add3A_35, %mul3A_41 : i32
      %add3A_43 = arith.addi %mul3A_2, %mul3A_42 : i32
      %dma_wait3A_44 = tpu.memref_slice %arg2[%add3A_43] : memref<16777216xf32, #tpu.memory_space<hbm>> -> memref<16384xf32, #tpu.memory_space<hbm>>
      %dma_wait3A_45 = tpu.memref_slice %arg2[%add3A_43] : memref<16777216xf32, #tpu.memory_space<hbm>> -> memref<16384xf32, #tpu.memory_space<hbm>>
      tpu.wait_dma2 semaphore(%arg8 : memref<!tpu.dma_semaphore, #tpu.memory_space<semaphore_mem>>) src(%dma_wait3A_45 : memref<16384xf32, #tpu.memory_space<hbm>>) dst(%arg4 : memref<16384xf32, #tpu.memory_space<vmem>>)
      %ge3A = arith.constant 2 : i32
      %ge3A_46 = arith.cmpi sge, %add3A_35, %ge3A : i32
      %convert_element_type3A_47 = arith.extui %ge3A_46 : i1 to i32
      %cond3A_48 = arith.constant 0 : i32
      %cond3A_49 = arith.cmpi ne, %convert_element_type3A_47, %cond3A_48 : i32
      scf.if %cond3A_49 {
        %sub3A_84 = arith.constant 2 : i32
        %sub3A_85 = arith.subi %add3A_35, %sub3A_84 : i32
        %mul3A_86 = arith.constant 16384 : i32
        %mul3A_87 = arith.muli %sub3A_85, %mul3A_86 : i32
        %add3A_88 = arith.addi %mul3A_2, %mul3A_87 : i32
        %dma_wait3A_89 = tpu.memref_slice %arg3[%add3A_88] : memref<16777216xf32, #tpu.memory_space<hbm>> -> memref<16384xf32, #tpu.memory_space<hbm>>
        %dma_wait3A_90 = tpu.memref_slice %arg3[%add3A_88] : memref<16777216xf32, #tpu.memory_space<hbm>> -> memref<16384xf32, #tpu.memory_space<hbm>>
        tpu.wait_dma2 semaphore(%arg10 : memref<!tpu.dma_semaphore, #tpu.memory_space<semaphore_mem>>) src(%arg6 : memref<16384xf32, #tpu.memory_space<vmem>>) dst(%dma_wait3A_90 : memref<16384xf32, #tpu.memory_space<hbm>>)
      } else {
      }
      %parallel_loop3A = arith.constant 0 : i32
      %parallel_loop3A_50 = arith.constant 1024 : i32
      %parallel_loop3A_51 = arith.constant 1 : i32
      scf.for %parallel_loop3A_84 = %parallel_loop3A to %parallel_loop3A_50 step %parallel_loop3A_51  : i32 {
        %parallel_loop3A_85 = arith.constant 16 : i32
        %parallel_loop3A_86 = arith.muli %parallel_loop3A_84, %parallel_loop3A_85 : i32
        %parallel_loop3A_87 = arith.index_cast %parallel_loop3A_86 : i32 to index
        %parallel_loop3A_88 = tpu.vector_load %arg4[%parallel_loop3A_87] {strides = array<i32>} : memref<16384xf32, #tpu.memory_space<vmem>>, vector<16xf32>,
        %parallel_loop3A_89 = vector.shape_cast %parallel_loop3A_88 : vector<16xf32> to vector<16xf32>
        %parallel_loop3A_90 = arith.constant 1.14285719 : f32
        %parallel_loop3A_91 = vector.broadcast %parallel_loop3A_90 : f32 to vector<16xf32>
        %parallel_loop3A_92 = arith.mulf %parallel_loop3A_89, %parallel_loop3A_91 : vector<16xf32>
        %parallel_loop3A_93 = arith.constant 11.4285717 : f32
        %parallel_loop3A_94 = vector.broadcast %parallel_loop3A_93 : f32 to vector<16xf32>
        %parallel_loop3A_95 = arith.addf %parallel_loop3A_92, %parallel_loop3A_94 : vector<16xf32>
        %parallel_loop3A_96 = arith.constant 15.999999 : f32
        %parallel_loop3A_97 = vector.broadcast %parallel_loop3A_96 : f32 to vector<16xf32>
        %parallel_loop3A_98 = arith.minimumf %parallel_loop3A_95, %parallel_loop3A_97 : vector<16xf32>
        %parallel_loop3A_99 = arith.fptosi %parallel_loop3A_98 : vector<16xf32> to vector<16xi32>
        %parallel_loop3A_100 = vector.shape_cast %parallel_loop3A_99 : vector<16xi32> to vector<16x1xi32>
        %parallel_loop3A_101 = vector.shape_cast %parallel_loop3A_100 : vector<16x1xi32> to vector<16xi32>
        %parallel_loop3A_102 = tpu.dynamic_gather %mul3A_13[%parallel_loop3A_101] in [0] : vector<16xf32>, vector<16xi32> -> vector<16xf32>
        %parallel_loop3A_103 = arith.mulf %parallel_loop3A_98, %parallel_loop3A_102 : vector<16xf32>
        %parallel_loop3A_104 = vector.shape_cast %parallel_loop3A_99 : vector<16xi32> to vector<16x1xi32>
        %parallel_loop3A_105 = vector.shape_cast %parallel_loop3A_104 : vector<16x1xi32> to vector<16xi32>
        %parallel_loop3A_106 = tpu.dynamic_gather %sub3A[%parallel_loop3A_105] in [0] : vector<16xf32>, vector<16xi32> -> vector<16xf32>
        %parallel_loop3A_107 = arith.addf %parallel_loop3A_103, %parallel_loop3A_106 : vector<16xf32>
        %parallel_loop3A_108 = arith.index_cast %parallel_loop3A_86 : i32 to index
        %parallel_loop3A_109 = tpu.vector_load %arg6[%parallel_loop3A_108] {strides = array<i32>} : memref<16384xf32, #tpu.memory_space<vmem>>, vector<16xf32>,
        %parallel_loop3A_110 = vector.shape_cast %parallel_loop3A_109 : vector<16xf32> to vector<16xf32>
        %parallel_loop3A_111 = vector.shape_cast %parallel_loop3A_107 : vector<16xf32> to vector<16xf32>
        tpu.vector_store %arg6[%parallel_loop3A_108], %parallel_loop3A_111 {strides = array<i32>} : memref<16384xf32, #tpu.memory_space<vmem>>, vector<16xf32>,
      } {sc.loop_unroll_factor = 8 : i64, sc.parallel_access}
      %mul3A_52 = arith.constant 16384 : i32
      %mul3A_53 = arith.muli %add3A_35, %mul3A_52 : i32
      %add3A_54 = arith.addi %mul3A_2, %mul3A_53 : i32
      %dma_start3A_55 = tpu.memref_slice %arg3[%add3A_54] : memref<16777216xf32, #tpu.memory_space<hbm>> -> memref<16384xf32, #tpu.memory_space<hbm>>
      %dma_start3A_56 = tpu.memref_slice %arg3[%add3A_54] : memref<16777216xf32, #tpu.memory_space<hbm>> -> memref<16384xf32, #tpu.memory_space<hbm>>
      tpu.enqueue_dma source(%arg6 : memref<16384xf32, #tpu.memory_space<vmem>>) target(%dma_start3A_56 : memref<16384xf32, #tpu.memory_space<hbm>>) target_semaphore(%arg10 : memref<!tpu.dma_semaphore, #tpu.memory_space<semaphore_mem>>)
      %add3A_57 = arith.constant 1 : i32
      %add3A_58 = arith.addi %add3A_33, %add3A_57 : i32
      %add3A_59 = arith.constant 1 : i32
      %add3A_60 = arith.addi %add3A_58, %add3A_59 : i32
      %lt3A_61 = arith.constant 32 : i32
      %lt3A_62 = arith.cmpi slt, %add3A_60, %lt3A_61 : i32
      %convert_element_type3A_63 = arith.extui %lt3A_62 : i1 to i32
      %cond3A_64 = arith.constant 0 : i32
      %cond3A_65 = arith.cmpi ne, %convert_element_type3A_63, %cond3A_64 : i32
      scf.if %cond3A_65 {
        %add3A_84 = arith.constant 1 : i32
        %add3A_85 = arith.addi %add3A_58, %add3A_84 : i32
        %mul3A_86 = arith.constant 16384 : i32
        %mul3A_87 = arith.muli %add3A_85, %mul3A_86 : i32
        %add3A_88 = arith.addi %mul3A_2, %mul3A_87 : i32
        %dma_start3A_89 = tpu.memref_slice %arg2[%add3A_88] : memref<16777216xf32, #tpu.memory_space<hbm>> -> memref<16384xf32, #tpu.memory_space<hbm>>
        %dma_start3A_90 = tpu.memref_slice %arg2[%add3A_88] : memref<16777216xf32, #tpu.memory_space<hbm>> -> memref<16384xf32, #tpu.memory_space<hbm>>
        tpu.enqueue_dma source(%dma_start3A_90 : memref<16384xf32, #tpu.memory_space<hbm>>) target(%arg4 : memref<16384xf32, #tpu.memory_space<vmem>>) target_semaphore(%arg8 : memref<!tpu.dma_semaphore, #tpu.memory_space<semaphore_mem>>)
      } else {
      }
      %mul3A_66 = arith.constant 16384 : i32
      %mul3A_67 = arith.muli %add3A_58, %mul3A_66 : i32
      %add3A_68 = arith.addi %mul3A_2, %mul3A_67 : i32
      %dma_wait3A_69 = tpu.memref_slice %arg2[%add3A_68] : memref<16777216xf32, #tpu.memory_space<hbm>> -> memref<16384xf32, #tpu.memory_space<hbm>>
      %dma_wait3A_70 = tpu.memref_slice %arg2[%add3A_68] : memref<16777216xf32, #tpu.memory_space<hbm>> -> memref<16384xf32, #tpu.memory_space<hbm>>
      tpu.wait_dma2 semaphore(%arg9 : memref<!tpu.dma_semaphore, #tpu.memory_space<semaphore_mem>>) src(%dma_wait3A_70 : memref<16384xf32, #tpu.memory_space<hbm>>) dst(%arg5 : memref<16384xf32, #tpu.memory_space<vmem>>)
      %ge3A_71 = arith.constant 2 : i32
      %ge3A_72 = arith.cmpi sge, %add3A_58, %ge3A_71 : i32
      %convert_element_type3A_73 = arith.extui %ge3A_72 : i1 to i32
      %cond3A_74 = arith.constant 0 : i32
      %cond3A_75 = arith.cmpi ne, %convert_element_type3A_73, %cond3A_74 : i32
      scf.if %cond3A_75 {
        %sub3A_84 = arith.constant 2 : i32
        %sub3A_85 = arith.subi %add3A_58, %sub3A_84 : i32
        %mul3A_86 = arith.constant 16384 : i32
        %mul3A_87 = arith.muli %sub3A_85, %mul3A_86 : i32
        %add3A_88 = arith.addi %mul3A_2, %mul3A_87 : i32
        %dma_wait3A_89 = tpu.memref_slice %arg3[%add3A_88] : memref<16777216xf32, #tpu.memory_space<hbm>> -> memref<16384xf32, #tpu.memory_space<hbm>>
        %dma_wait3A_90 = tpu.memref_slice %arg3[%add3A_88] : memref<16777216xf32, #tpu.memory_space<hbm>> -> memref<16384xf32, #tpu.memory_space<hbm>>
        tpu.wait_dma2 semaphore(%arg11 : memref<!tpu.dma_semaphore, #tpu.memory_space<semaphore_mem>>) src(%arg7 : memref<16384xf32, #tpu.memory_space<vmem>>) dst(%dma_wait3A_90 : memref<16384xf32, #tpu.memory_space<hbm>>)
      } else {
      }
      %parallel_loop3A_76 = arith.constant 0 : i32
      %parallel_loop3A_77 = arith.constant 1024 : i32
      %parallel_loop3A_78 = arith.constant 1 : i32
      scf.for %parallel_loop3A_84 = %parallel_loop3A_76 to %parallel_loop3A_77 step %parallel_loop3A_78  : i32 {
        %parallel_loop3A_85 = arith.constant 16 : i32
        %parallel_loop3A_86 = arith.muli %parallel_loop3A_84, %parallel_loop3A_85 : i32
        %parallel_loop3A_87 = arith.index_cast %parallel_loop3A_86 : i32 to index
        %parallel_loop3A_88 = tpu.vector_load %arg5[%parallel_loop3A_87] {strides = array<i32>} : memref<16384xf32, #tpu.memory_space<vmem>>, vector<16xf32>,
        %parallel_loop3A_89 = vector.shape_cast %parallel_loop3A_88 : vector<16xf32> to vector<16xf32>
        %parallel_loop3A_90 = arith.constant 1.14285719 : f32
        %parallel_loop3A_91 = vector.broadcast %parallel_loop3A_90 : f32 to vector<16xf32>
        %parallel_loop3A_92 = arith.mulf %parallel_loop3A_89, %parallel_loop3A_91 : vector<16xf32>
        %parallel_loop3A_93 = arith.constant 11.4285717 : f32
        %parallel_loop3A_94 = vector.broadcast %parallel_loop3A_93 : f32 to vector<16xf32>
        %parallel_loop3A_95 = arith.addf %parallel_loop3A_92, %parallel_loop3A_94 : vector<16xf32>
        %parallel_loop3A_96 = arith.constant 15.999999 : f32
        %parallel_loop3A_97 = vector.broadcast %parallel_loop3A_96 : f32 to vector<16xf32>
        %parallel_loop3A_98 = arith.minimumf %parallel_loop3A_95, %parallel_loop3A_97 : vector<16xf32>
        %parallel_loop3A_99 = arith.fptosi %parallel_loop3A_98 : vector<16xf32> to vector<16xi32>
        %parallel_loop3A_100 = vector.shape_cast %parallel_loop3A_99 : vector<16xi32> to vector<16x1xi32>
        %parallel_loop3A_101 = vector.shape_cast %parallel_loop3A_100 : vector<16x1xi32> to vector<16xi32>
        %parallel_loop3A_102 = tpu.dynamic_gather %mul3A_13[%parallel_loop3A_101] in [0] : vector<16xf32>, vector<16xi32> -> vector<16xf32>
        %parallel_loop3A_103 = arith.mulf %parallel_loop3A_98, %parallel_loop3A_102 : vector<16xf32>
        %parallel_loop3A_104 = vector.shape_cast %parallel_loop3A_99 : vector<16xi32> to vector<16x1xi32>
        %parallel_loop3A_105 = vector.shape_cast %parallel_loop3A_104 : vector<16x1xi32> to vector<16xi32>
        %parallel_loop3A_106 = tpu.dynamic_gather %sub3A[%parallel_loop3A_105] in [0] : vector<16xf32>, vector<16xi32> -> vector<16xf32>
        %parallel_loop3A_107 = arith.addf %parallel_loop3A_103, %parallel_loop3A_106 : vector<16xf32>
        %parallel_loop3A_108 = arith.index_cast %parallel_loop3A_86 : i32 to index
        %parallel_loop3A_109 = tpu.vector_load %arg7[%parallel_loop3A_108] {strides = array<i32>} : memref<16384xf32, #tpu.memory_space<vmem>>, vector<16xf32>,
        %parallel_loop3A_110 = vector.shape_cast %parallel_loop3A_109 : vector<16xf32> to vector<16xf32>
        %parallel_loop3A_111 = vector.shape_cast %parallel_loop3A_107 : vector<16xf32> to vector<16xf32>
        tpu.vector_store %arg7[%parallel_loop3A_108], %parallel_loop3A_111 {strides = array<i32>} : memref<16384xf32, #tpu.memory_space<vmem>>, vector<16xf32>,
      } {sc.loop_unroll_factor = 8 : i64, sc.parallel_access}
      %mul3A_79 = arith.constant 16384 : i32
      %mul3A_80 = arith.muli %add3A_58, %mul3A_79 : i32
      %add3A_81 = arith.addi %mul3A_2, %mul3A_80 : i32
      %dma_start3A_82 = tpu.memref_slice %arg3[%add3A_81] : memref<16777216xf32, #tpu.memory_space<hbm>> -> memref<16384xf32, #tpu.memory_space<hbm>>
      %dma_start3A_83 = tpu.memref_slice %arg3[%add3A_81] : memref<16777216xf32, #tpu.memory_space<hbm>> -> memref<16384xf32, #tpu.memory_space<hbm>>
      tpu.enqueue_dma source(%arg7 : memref<16384xf32, #tpu.memory_space<vmem>>) target(%dma_start3A_83 : memref<16384xf32, #tpu.memory_space<hbm>>) target_semaphore(%arg11 : memref<!tpu.dma_semaphore, #tpu.memory_space<semaphore_mem>>)
    }
    %scan3A_21 = arith.constant 16 : i32
    %add3A_22 = arith.constant 491520 : i32
    %add3A_23 = arith.addi %mul3A_2, %add3A_22 : i32
    %dma_wait3A = tpu.memref_slice %arg3[%add3A_23] : memref<16777216xf32, #tpu.memory_space<hbm>> -> memref<16384xf32, #tpu.memory_space<hbm>>
    %dma_wait3A_24 = tpu.memref_slice %arg3[%add3A_23] : memref<16777216xf32, #tpu.memory_space<hbm>> -> memref<16384xf32, #tpu.memory_space<hbm>>
    tpu.wait_dma2 semaphore(%arg10 : memref<!tpu.dma_semaphore, #tpu.memory_space<semaphore_mem>>) src(%arg6 : memref<16384xf32, #tpu.memory_space<vmem>>) dst(%dma_wait3A_24 : memref<16384xf32, #tpu.memory_space<hbm>>)
    %add3A_25 = arith.constant 507904 : i32
    %add3A_26 = arith.addi %mul3A_2, %add3A_25 : i32
    %dma_wait3A_27 = tpu.memref_slice %arg3[%add3A_26] : memref<16777216xf32, #tpu.memory_space<hbm>> -> memref<16384xf32, #tpu.memory_space<hbm>>
    %dma_wait3A_28 = tpu.memref_slice %arg3[%add3A_26] : memref<16777216xf32, #tpu.memory_space<hbm>> -> memref<16384xf32, #tpu.memory_space<hbm>>
    tpu.wait_dma2 semaphore(%arg11 : memref<!tpu.dma_semaphore, #tpu.memory_space<semaphore_mem>>) src(%arg7 : memref<16384xf32, #tpu.memory_space<vmem>>) dst(%dma_wait3A_28 : memref<16384xf32, #tpu.memory_space<hbm>>)
    return
  }
}

</mosaic_0001>

<sc_bundles>
// kernel: kernel.3.cloned.1.call-start
scs
__scs_entry_jumppad:
0x0: {  	(pc) =	sbr.rel $0x88, $3  }
0x1: {  	(tag) =	ssettag $0x0;
	lr =	simm.s32 $0x1  }
0x2: {  	[smem:$0x3FA0] =	sst lr;
	_ =	strace $0xD0000000  }
0x3: {  	_ = 	snop  }
0x4: {  	_ = 	snop  }
0x5: {  	_ = 	snop  }
0x6: {  	_ = 	snop  }
0x7: {  	_ = 	snop  }
__scs_overlays_trampoline_lowered:
0x8: {  	[smem:$0x3FAF] =	sst s0  }
0x9: {  	[smem:$0x3FB0] =	sst s1  }
0xa: {  	[smem:$0x3FB1] =	sst s2  }
0xb: {  	[smem:$0x3FB2] =	sst s3  }
0xc: {  	[smem:$0x3FB3] =	sst s4  }
0xd: {  	[smem:$0x3FB4] =	sst s5  }
0xe: {  	[smem:$0x3FB5] =	sst s6  }
0xf: {  	[smem:$0x3FB6] =	sst s7  }
0x10: {  	[smem:$0x3FB7] =	sst s8  }
0x11: {  	[smem:$0x3FB8] =	sst s9;
	s0 =	simm.s32 @!p0 $0x0  }
0x12: {  	s1 =	sld [smem:$0x3F9E];
	s0 =	simm.s32 @p0 $0x1  }
0x13: {  	[smem:$0x3FB9] =	sst s0;
	s0 =	simm.s32 @!p1 $0x0  }
0x14: {  	s2 =	sld [smem:$0x3F9D];
	s0 =	simm.s32 @p1 $0x1  }
0x15: {  	[smem:$0x3FBA] =	sst s0;
	s0 =	simm.s32 @!p2 $0x0  }
0x16: {  	s3 =	sld [smem:$0x3FDB];
	s0 =	simm.s32 @p2 $0x1  }
0x17: {  	s4 =	simm.s32 $0x1BF5;
	[smem:$0x3FBC] =	sst s0  }
0x18: {  	s0 =	sld [smem:$0x3F9F];
	_ =	swait.ge [sflag:s4], $0x0  }
0x19: {  	s7 =	sld [smem:$0x3FA0]  }
0x1a: {  	s8 =	sadd.s32 $0xFFFFE003, lr  }
0x1b: {  	s9 =	sadd.s32 $0xFFFFFEF7, lr;
	s5 =	simm.s32 $0xFFFFFFFF;
	p2 =	slt.u32 s8, $0xFFFFF086  }
0x1c: {  	p1 =	slt.u32 s9, $0xF7A;
	s5 =	simm.s32 @!p2 $0x0  }
0x1d: {  	s5 =	simm.s32 @p1 $0x1;
	p0 =	seq.s32 s7, s2  }
0x1e: {  	s7 =	smul.u32 @!p0 $0xF7A, s2;
	p2 =	seq.s32 @!p0 s5, $0x0  }
0x1f: {  	s9 =	smul.u32 $0xF7A, s1;
	s8 =	simm.s32 @!p0 $0x1BF5;
	p2 =	por !p2, p0  }
0x20: {  	[sflag:s8] =	ssyncset.s32 @!p0 $0xFFFFF086;
	s6 =	sadd.s32 @!p0 s3, s7;
	s7 =	simm.s32 @!p0 $0x108  }
0x21: {  	s3 =	sadd.s32 s3, s9;
	s6 =	sadd.s32 @!p0 $0x88, s6;
	s7 =	simm.s32 @p2 $0x1082  }
0x22: {  	[simem:s7], [sflag:s8] =	dma.local @!p0 [hbm:s6], $0xF7A  }
0x23: {  	s9 =	sor.u32 $0xD0000000, s2;
	s6 =	simm.s32 $0x108;
	_ =	swait.ge @!p0 [sflag:s8], $0x0  }
0x24: {  	s3 =	sadd.s32 $0x88, s3;
	s6 =	simm.s32 @!p1 $0x1082;
	[sflag:s4] =	ssyncset.s32 $0xFFFFF086  }
0x25: {  	[simem:s6], [sflag:s4] =	dma.local [hbm:s3], $0xF7A  }
0x26: {  	[smem:$0x3FA0] =	sst s1;
	(tag) =	ssettag s2;
	_ =	strace s9  }
0x27: {  	s1 =	sld [smem:$0x3FB0]  }
0x28: {  	s2 =	sld [smem:$0x3FB1]  }
0x29: {  	s4 =	sld [smem:$0x3FB3]  }
0x2a: {  	p0 =	seq.s32 s5, $0x0;
	s5 =	sld [smem:$0x3FB4]  }
0x2b: {  	s6 =	sld [smem:$0x3FB5]  }
0x2c: {  	s7 =	sld [smem:$0x3FB6]  }
0x2d: {  	s3 =	simm.s32 $0x108;
	s8 =	sld [smem:$0x3FB7]  }
0x2e: {  	s3 =	simm.s32 @!p0 $0x1082;
	s9 =	sld [smem:$0x3FB8]  }
0x2f: {  	lr =	sadd.s32 s0, s3;
	s0 =	sld [smem:$0x3FAF]  }
0x30: {  	s3 =	sld [smem:$0x3FB2]  }
0x31: {  	[smem:$0x3FBB] =	sst s10  }
0x32: {  	s10 =	sld [smem:$0x3FB9];
	_ =	sdelay $0x3  }
0x33: {  	p0 =	seq.s32 s10, $0x1;
	s10 =	sld [smem:$0x3FBB];
	_ =	sdelay $0x3  }
0x34: {  	[smem:$0x3FBB] =	sst s10  }
0x35: {  	s10 =	sld [smem:$0x3FBA];
	_ =	sdelay $0x3  }
0x36: {  	p1 =	seq.s32 s10, $0x1;
	s10 =	sld [smem:$0x3FBB];
	_ =	sdelay $0x3  }
0x37: {  	[smem:$0x3FBB] =	sst s10  }
0x38: {  	s10 =	sld [smem:$0x3FBC]  }
0x39: {  	_ = 	snop;
	(pc) =	sbr.ind lr, $3  }
0x3a: {  	_ = 	snop  }
0x3b: {  	_ = 	snop  }
0x3c: {  	p2 =	seq.s32 s10, $0x1;
	s10 =	sld [smem:$0x3FBB]  }
0x3d: {  	_ =	shalt  }
0x3e: {  	_ =	shalt  }
0x3f: {  	_ =	shalt  }
0x40: {  	_ =	shalt  }
0x41: {  	_ =	shalt  }
0x42: {  	_ =	shalt  }
0x43: {  	_ =	shalt  }
0x44: {  	_ =	shalt  }
0x45: {  	_ =	shalt  }
0x46: {  	_ =	shalt  }
0x47: {  	_ =	shalt  }
0x48: {  	_ =	shalt  }
0x49: {  	_ =	shalt  }
0x4a: {  	_ =	shalt  }
0x4b: {  	_ =	shalt  }
0x4c: {  	_ =	shalt  }
0x4d: {  	_ =	shalt  }
0x4e: {  	_ =	shalt  }
0x4f: {  	_ =	shalt  }
0x50: {  	_ =	shalt  }
0x51: {  	_ =	shalt  }
0x52: {  	_ =	shalt  }
0x53: {  	_ =	shalt  }
0x54: {  	_ =	shalt  }
0x55: {  	_ =	shalt  }
0x56: {  	_ =	shalt  }
0x57: {  	_ =	shalt  }
0x58: {  	_ =	shalt  }
0x59: {  	_ =	shalt  }
0x5a: {  	_ =	shalt  }
0x5b: {  	_ =	shalt  }
0x5c: {  	_ =	shalt  }
0x5d: {  	_ =	shalt  }
0x5e: {  	_ =	shalt  }
0x5f: {  	_ =	shalt  }
0x60: {  	_ =	shalt  }
0x61: {  	_ =	shalt  }
0x62: {  	_ =	shalt  }
0x63: {  	_ =	shalt  }
0x64: {  	_ =	shalt  }
0x65: {  	_ =	shalt  }
0x66: {  	_ =	shalt  }
0x67: {  	_ =	shalt  }
0x68: {  	_ =	shalt  }
0x69: {  	_ =	shalt  }
0x6a: {  	_ =	shalt  }
0x6b: {  	_ =	shalt  }
0x6c: {  	_ =	shalt  }
0x6d: {  	_ =	shalt  }
0x6e: {  	_ =	shalt  }
0x6f: {  	_ =	shalt  }
0x70: {  	_ =	shalt  }
0x71: {  	_ =	shalt  }
0x72: {  	_ =	shalt  }
0x73: {  	_ =	shalt  }
0x74: {  	_ =	shalt  }
0x75: {  	_ =	shalt  }
0x76: {  	_ =	shalt  }
0x77: {  	_ =	shalt  }
0x78: {  	_ =	shalt  }
0x79: {  	_ =	shalt  }
0x7a: {  	_ =	shalt  }
0x7b: {  	_ =	shalt  }
0x7c: {  	_ =	shalt  }
0x7d: {  	_ =	shalt  }
0x7e: {  	_ =	shalt  }
0x7f: {  	_ =	shalt  }
0x80: {  	_ =	shalt  }
0x81: {  	_ =	shalt  }
0x82: {  	_ =	shalt  }
0x83: {  	_ =	shalt  }
0x84: {  	_ =	shalt  }
0x85: {  	_ =	shalt  }
0x86: {  	_ =	shalt  }
0x87: {  	_ =	shalt  }
.Lfunc_end0:
.L_simem_size_0:
called_computation_lowered:
.L_overlay_start_0:
0x88: {  	s2 =	sld [smem:$0x3FD9]  }
0x89: {  	s3 =	sld [smem:$0x3FFE];
	_ =	sdelay $0x1  }
0x8a: {  	s1 =	srdreg.scid  }
0x8b: {  	s0 =	sand.u32 $0x1, s1  }
0x8c: {  	s18 =	sshll.u32 s0, $0xA;
	s2 =	sadd.s32 s3, s2  }
0x8d: {  	s2 =	sadd.s32 s2, s18  }
0x8e: {  	[smem:$0x3FC7] =	sst s2  }
0x8f: {  	_ = 	snop  }
0x90: {  	s2 =	sld [smem:$0x3FC9]  }
0x91: {  	s19 =	sld [smem:$0x3FD0];
	(tm) =	ssettm $0x1  }
0x92: {  	s4 =	sld [smem:$0x3FFB];
	_ =	sdelay $0x3  }
0x93: {  	_ =	strace s4  }
0x94: {  	s4 =	sld [smem:$0x3FFC];
	_ =	sdelay $0x3  }
0x95: {  	_ =	strace s4  }
0x96: {  	s4 =	sld [smem:$0x3FFD];
	_ =	sdelay $0x3  }
0x97: {  	_ =	strace s4  }
0x98: {  	_ =	strace $0x8FFFFFFF  }
0x99: {  	s20 =	sld [smem:$0x3FDB];
	_ =	sdelay $0x1  }
0x9a: {  	s5 =	simm.s32 $_scs_section_size  }
0x9b: {  	s6 =	simm.s32 $_size__tile_overlayer_lowered;
	s7 =	simm.s32 $_tile_overlayer_lowered  }
0x9c: {  	s23 =	simm.s32 $0x1BFF;
	s22 =	sshll.u32 s7, $0x1;
	s4 =	sadd.s32 s5, s20  }
0x9d: {  	s8 =	simm.s32 $0x0;
	s21 =	sshll.u32 s6, $0x1;
	s6 =	sadd.s32 s22, s4  }
0x9e: {  	[timem:s8], [sflag:s23] =	dma.local [hbm:s6], s21  }
0x9f: {  	_ =	swait.ge [sflag:s23], s21  }
0xa0: {  	s5 =	ssub.s32 $0x0, s21;
	[sflag:s23] =	ssyncset.done $0x0  }
0xa1: {  	[sflag:s23] =	ssyncadd.s32 s5;
	_ =	sdelay $0x1  }
0xa2: {  	s24 =	simm.s32 $0x1B8B  }
0xa3: {  	_ =	swait.ge [sflag:s24], $0x1  }
0xa4: {  	[sflag:s24] =	ssyncset.done $0x0  }
0xa5: {  	s25 =	simm.s32 $0x1B8E;
	[sflag:s24] =	ssyncadd.s32 $0xFFFFFFFF  }
0xa6: {  	s26 =	simm.s32 $execute0_lowered;
	[smem:$0x3FD2] =	sst s25  }
0xa7: {  	s5 =	sshll.u32 s26, $0x1;
	_ =	strace $0x80000046;
	[dreg:$0x1] =	wrdreg $0xFFFFFFFF  }
0xa8: {  	s28 =	simm.s32 $_size_execute0_lowered;
	s4 =	sadd.s32 s4, s5;
	[dreg:$0x0] =	wrdreg $0x0  }
0xa9: {  	s5 =	sshll.u32 s28, $0x1;
	[dreg:$0x2] =	wrdreg s4  }
0xaa: {  	[dreg:$0x3] =	wrdreg s5  }
0xab: {  	[dreg:$0x4] =	wrdreg $0xC0  }
0xac: {  	_ =	task [dreg:s8], $0x5FFFF  }
0xad: {  	[dreg:$0x1] =	wrdreg $0xFFFFFFFF  }
0xae: {  	[dreg:$0x0] =	wrdreg $0x60  }
0xaf: {  	[dreg:$0x2] =	wrdreg s2  }
0xb0: {  	[dreg:$0x3] =	wrdreg s19  }
0xb1: {  	[dreg:$0x4] =	wrdreg $0x9  }
0xb2: {  	_ =	task.clear_ibuf [dreg:s8], $0x5FFFF;
	_ =	strace $0x90000046  }
0xb3: {  	s29 =	simm.s32 $0x9;
	_ =	strace $0x80000048  }
0xb4: {  	_ =	swait.ge [sflag:s29], $0x1  }
0xb5: {  	[sflag:s29] =	ssyncadd.s32 $0xFFFFFFFF  }
0xb6: {  	_ =	strace $0x90000048  }
0xb7: {  	_ =	sfence  }
0xb8: {  	s30 =	sld [smem:$0x0];
	_ =	sdelay $0x2  }
0xb9: {  	s31 =	sshll.u32 s1, $0xD;
	s1 =	sshrl.u32 s1, $0x2  }
0xba: {  	s3 =	sand.u32 $0x4000, s31;
	s1 =	sadd.s32 s1, s30  }
0xbb: {  	s0 =	sor.u32 s3, s0;
	s1 =	sshll.u32 s1, $0x11  }
0xbc: {  	s0 =	sor.u32 s1, s0  }
0xbd: {  	s0 =	sadd.s32 $0x8F2B, s0  }
0xbe: {  	[sflag:s0] =	ssyncadd.remote.s32 $0x1  }
0xbf: {  	_ =	sfence.sel $0xFFFF  }
0xc0: {  	[dreg:$0x0] =	wrdreg $0xFFFFFFFF;
	(pc) =	sbr.abs _section_cstart, $3  }
0xc1: {  	[dreg:$0x1] =	wrdreg $0xFFFFFFFF  }
0xc2: {  	_ =	task.clear_ibuf [dreg:s8], $0x2FFFF;
	_ =	strace $0x9FFFFFFF  }
0xc3: {  	(tm) =	ssettm $0x7FFFFFFF  }
tec
execute0_lowered:
.L_overlay_start_1:
0x0: {  	(tag) =	ssettag $0x1  }
0x1: {  	v0 =	vimm.f32 $4.508421900e+00;
	vm0 =	vcmask $0x300  }
0x2: {  	vm1 =	vcmask $0x704;
	v0 =	vsel vm0, $0xC166D4CA, v0  }
0x3: {  	vm2 =	vcmask $0xB08;
	v0 =	vsel vm1, $0xC152A22B, v0  }
0x4: {  	vm3 =	vcmask $0xF0C;
	v0 =	vsel vm2, $0xC13E6F8D, v0  }
0x5: {  	vm4 =	vcmask $0x1310;
	v0 =	vsel vm3, $0xC12A3CEE, v0  }
0x6: {  	vm7 =	vcmask $0x1714;
	v0 =	vsel vm4, $0xC1160A50, v0  }
0x7: {  	vm9 =	vcmask $0x1B18;
	v0 =	vsel vm7, $0xC101D7B1, v0  }
0x8: {  	vm10 =	vcmask $0x1F1C;
	v0 =	vsel vm9, $0xC0DB4A26, v0  }
0x9: {  	vm11 =	vcmask $0x2320;
	v0 =	vsel vm10, $0xC0B2E4E9, v0  }
0xa: {  	vm12 =	vcmask $0x2724;
	v0 =	vsel vm11, $0xC08A7FAC, v0  }
0xb: {  	vm13 =	vcmask $0x2B28;
	v0 =	vsel vm12, $0xC04434DF, v0  }
0xc: {  	vm5 =	vcmask $0x2F2C;
	v0 =	vsel vm13, $0xBFE6D4CA, v0  }
0xd: {  	s1 =	rddreg [dreg:$0x0];
	vm6 =	vcmask $0x3330;
	v0 =	vsel vm5, $0xBF0A7FAC, v0  }
0xe: {  	s2 =	rddreg [dreg:$0x1];
	s3 =	simm.s32 $0x0;
	vm8 =	vcmask $0x3734;
	v0 =	vsel vm6, $0x3F38AA3B, v0  }
0xf: {  	vm14 =	vcmask $0x3B38;
	v1 =	vimm.f32 $-1.500000000e+01;
	[smem:$0x7FF] =	sst s3;
	v0 =	vsel vm8, $0x3FFDEA11, v0  }
0x10: {  	s0 =	rddreg [dreg:$0x2];
	v1 =	vsel vm0, $0x80000000, v1;
	_ =	strace $0x80000047;
	v0 =	vsel vm14, $0x404FBF82, v0  }
0x11: {  	(erf) = vpow2.f32 v0;
	v0 =	vsel vm1, $0xBF800000, v1  }
0x12: {  	v0 =	vsel vm2, $0xC0000000, v0  }
0x13: {  	v0 =	vsel vm3, $0xC0400000, v0  }
0x14: {  	v0 =	vsel vm4, $0xC0800000, v0  }
0x15: {  	v0 =	vsel vm7, $0xC0A00000, v0  }
0x16: {  	v0 =	vsel vm9, $0xC0C00000, v0  }
0x17: {  	v0 =	vsel vm10, $0xC0E00000, v0  }
0x18: {  	v0 =	vsel vm11, $0xC1000000, v0  }
0x19: {  	v0 =	vsel vm12, $0xC1100000, v0  }
0x1a: {  	v1 =	vpop (erf);
	v0 =	vsel vm13, $0xC1200000, v0  }
0x1b: {  	s5 =	srdreg.scid;
	v1 =	vsub.f32 $0.0e+00, v1;
	v0 =	vsel vm5, $0xC1300000, v0  }
0x1c: {  	s4 =	stileid.u32;
	s10 =	simm.s32 $0x4000;
	s11 =	simm.s32 $0x1;
	v2 =	vsel vm6, $0xC1400000, v0  }
0x1d: {  	s12 =	simm.s32 $0x8000;
	s13 =	simm.s32 $0x2;
	s14 =	simm.s32 $0x4;
	v0 =	vmul.f32 $1.398875240e+00, v1;
	v2 =	vsel vm8, $0xC1500000, v2  }
0x1e: {  	s15 =	simm.s32 $0xC000;
	s16 =	simm.s32 $0x3;
	s5 =	sand.u32 $0x1, s5;
	v2 =	vsel vm14, $0xC1600000, v2  }
0x1f: {  	s7 =	sshll.u32 s4, $0x14;
	s6 =	ssub.s32 $0x2, s5;
	s5 =	sshll.u32 s5, $0x13;
	v2 =	vmul.f32 v2, v0  }
0x20: {  	s17 =	simm.s32 $0x0;
	s8 =	sshrl.u32 s6, $0x1;
	s5 =	sor.u32 s5, s7  }
0x21: {  	s9 =	ssub.s32 s6, s8;
	s31 =	sshrl.u32 s5, $0x3;
	s7 =	sor.u32 $0x4000, s5;
	v1 =	vadd.f32 v2, v1  }
0x22: {  	s8 =	sor.u32 $0x8000, s5;
	s6 =	sadd.s32 s1, s31;
	s9 =	smax.u32 s9, $0x1  }
.LBB2_1:
0x23: {  	[tilespmem:s3], [sflag:$0x1] =	stream.linear.gather [hbm4b:s6+s3], $0x4000, $0x38;
	[tilespmem:$0x10000] =	vst v63  }
0x24: {  	s18 =	simm.s32 $0x0  }
.LBB2_2:
0x25: {  	s20 =	sshll.u32 s18, $0xF  }
0x26: {  	s19 =	sadd.s32 s7, s20  }
0x27: {  	s19 =	sshrl.u32 s19, $0x3  }
0x28: {  	s21 =	sadd.s32 s1, s19  }
0x29: {  	[tilespmem:s10], [sflag:$0x2] =	stream.linear.gather [hbm4b:s21+s3], $0x4000, $0x38;
	[tilespmem:$0x10000] =	vst v63  }
0x2a: {  	_ =	swait.ge [sflag:s11], $0x4000  }
0x2b: {  	p0 =	seq.s32 s18, $0x0;
	[sflag:s11] =	ssyncset.done $0x0  }
0x2c: {  	s21 =	simm.s32 @!p0 $0x3;
	[sflag:s11] =	ssyncadd.s32 $0xFFFFC000  }
0x2d: {  	_ =	swait.ge @!p0 [sflag:s21], $0x4000  }
0x2e: {  	[sflag:s21] =	ssyncset.done @!p0 $0x0  }
0x2f: {  	s30 =	simm.s32 $0x40;
	[sflag:s21] =	ssyncadd.s32 @!p0 $0xFFFFC000  }
0x30: {  	v2 =	vld [tilespmem:s30+$0xFFFFFFD0]  }
0x31: {  	v3 =	vld [tilespmem:s30+$0x20]  }
0x32: {  	v4 =	vld [tilespmem:s30+$0xFFFFFFC0]  }
0x33: {  	v5 =	vld [tilespmem:s30+$0xFFFFFFE0]  }
0x34: {  	v6 =	vld [tilespmem:s30+$0xFFFFFFF0]  }
0x35: {  	v7 =	vld [tilespmem:s30+$0x0]  }
0x36: {  	s31 =	simm.s32 $0xC0;
	v8 =	vld [tilespmem:s30+$0x10]  }
0x37: {  	v21 =	vld [tilespmem:s31+$0xFFFFFFE0]  }
0x38: {  	v27 =	vld [tilespmem:s31+$0x0];
	v3 =	vmul.f32 $1.142857190e+00, v3;
	v4 =	vmul.f32 $1.142857190e+00, v4  }
0x39: {  	v2 =	vmul.f32 $1.142857190e+00, v2;
	v5 =	vmul.f32 $1.142857190e+00, v5  }
0x3a: {  	v6 =	vmul.f32 $1.142857190e+00, v6;
	v7 =	vmul.f32 $1.142857190e+00, v7;
	v3 =	vadd.f32 $1.142857170e+01, v3  }
0x3b: {  	v8 =	vmul.f32 $1.142857190e+00, v8;
	v4 =	vadd.f32 $1.142857170e+01, v4;
	v2 =	vadd.f32 $1.142857170e+01, v2  }
0x3c: {  	v21 =	vmul.f32 $1.142857190e+00, v21;
	v5 =	vadd.f32 $1.142857170e+01, v5;
	v6 =	vadd.f32 $1.142857170e+01, v6  }
0x3d: {  	v27 =	vmul.f32 $1.142857190e+00, v27;
	v7 =	vadd.f32 $1.142857170e+01, v7;
	v8 =	vadd.f32 $1.142857170e+01, v8  }
0x3e: {  	v3 =	vmin.f32 v3, $1.599999900e+01;
	v10 =	vmin.f32 v4, $1.599999900e+01;
	v11 =	vmin.f32 v5, $1.599999900e+01  }
0x3f: {  	v2 =	vmin.f32 v2, $1.599999900e+01;
	v4 =	vtrunc.f32 v3;
	v9 =	vtrunc.f32 v10  }
0x40: {  	v14 =	vmin.f32 v6, $1.599999900e+01;
	v12 =	vtrunc.f32 v11;
	v4 =	vcvt.f32.s32 v4  }
0x41: {  	v5 =	vld [tilespmem:s30+$0x30];
	v8 =	vmin.f32 v8, $1.599999900e+01;
	v13 =	vtrunc.f32 v2;
	v15 =	vtrunc.f32 v14  }
0x42: {  	v23 =	vtrunc.f32 v8;
	v9 =	vcvt.f32.s32 v9;
	v4 =	vand.u32 $0xF, v4  }
0x43: {  	v19 =	vld [tilespmem:s31+$0x20];
	v18 =	vcvt.f32.s32 v13;
	v6 =	vperm.xlane v0, v4  }
0x44: {  	v17 =	vmin.f32 v7, $1.599999900e+01;
	v12 =	vcvt.f32.s32 v12;
	v13 =	vld [tilespmem:s31+$0xFFFFFFC0];
	v7 =	vperm.xlane v1, v4  }
0x45: {  	v4 =	vtrunc.f32 v17;
	v6 =	vmul.f32 v3, v6  }
0x46: {  	v9 =	vand.u32 $0xF, v9;
	v3 =	vmul.f32 $1.142857190e+00, v5;
	v5 =	vcvt.f32.s32 v15  }
0x47: {  	v12 =	vand.u32 $0xF, v12;
	v20 =	vperm.xlane v1, v9;
	v16 =	vcvt.f32.s32 v4;
	v15 =	vld [tilespmem:s31+$0xFFFFFFD0]  }
0x48: {  	v24 =	vperm.xlane v1, v12;
	v5 =	vand.u32 $0xF, v5;
	v26 =	vadd.f32 v6, v7  }
0x49: {  	v7 =	vmul.f32 $1.142857190e+00, v13;
	v13 =	vand.u32 $0xF, v16;
	v16 =	vmul.f32 $1.142857190e+00, v19  }
0x4a: {  	v3 =	vadd.f32 $1.142857170e+01, v3;
	v4 =	vperm.xlane v1, v5;
	v25 =	vperm.xlane v0, v5;
	v5 =	vld [tilespmem:s31+$0xFFFFFFF0]  }
0x4b: {  	v19 =	vperm.xlane v0, v13;
	v13 =	vperm.xlane v1, v13  }
0x4c: {  	v3 =	vmin.f32 v3, $1.599999900e+01;
	v6 =	vmul.f32 $1.142857190e+00, v15;
	v15 =	vperm.xlane v0, v12  }
0x4d: {  	v7 =	vadd.f32 $1.142857170e+01, v7;
	v22 =	vtrunc.f32 v3;
	v17 =	vmul.f32 v17, v19  }
0x4e: {  	v12 =	vcvt.f32.s32 v22;
	v22 =	vadd.f32 $1.142857170e+01, v6;
	v11 =	vmul.f32 v11, v15  }
0x4f: {  	v6 =	vadd.f32 $1.142857170e+01, v16;
	v15 =	vmul.f32 v14, v25;
	v16 =	vmul.f32 $1.142857190e+00, v5  }
0x50: {  	v5 =	vmin.f32 v7, $1.599999900e+01;
	v7 =	vadd.f32 $1.142857170e+01, v21;
	v21 =	vperm.xlane v0, v9  }
0x51: {  	v9 =	vcvt.f32.s32 v23;
	v28 =	vmin.f32 v6, $1.599999900e+01;
	v29 =	vtrunc.f32 v5  }
0x52: {  	v24 =	vadd.f32 v11, v24;
	v6 =	vmin.f32 v7, $1.599999900e+01;
	v7 =	vtrunc.f32 v28  }
0x53: {  	v23 =	vld [tilespmem:s31+$0x10];
	v31 =	vand.u32 $0xF, v9;
	v16 =	vadd.f32 $1.142857170e+01, v16;
	v10 =	vmul.f32 v10, v21  }
0x54: {  	v9 =	vmin.f32 v22, $1.599999900e+01;
	v30 =	vtrunc.f32 v6;
	v22 =	vcvt.f32.s32 v7  }
0x55: {  	s23 =	simm.s32 $0x8040;
	v33 =	vld [tilespmem:s31+$0x30];
	v32 =	vperm.xlane v0, v31;
	v34 =	vtrunc.f32 v9  }
0x56: {  	v14 =	vperm.xlane v1, v31;
	[tilespmem:s23+$0xFFFFFFE0] =	vst v24;
	v24 =	vand.u32 $0xF, v18;
	v7 =	vmin.f32 v16, $1.599999900e+01  }
0x57: {  	v63 =	vadd.f32 v10, v20;
	v10 =	vcvt.f32.s32 v34;
	v18 =	vperm.xlane v0, v24  }
0x58: {  	v23 =	vmul.f32 $1.142857190e+00, v23;
	v22 =	vand.u32 $0xF, v22;
	v16 =	vmul.f32 v8, v32  }
0x59: {  	v25 =	vtrunc.f32 v7;
	v11 =	vperm.xlane v0, v22  }
0x5a: {  	v8 =	vadd.f32 $1.142857170e+01, v27;
	v19 =	vperm.xlane v1, v22;
	v22 =	vmul.f32 $1.142857190e+00, v33  }
0x5b: {  	v20 =	vcvt.f32.s32 v25;
	v27 =	vmul.f32 v28, v11  }
0x5c: {  	v25 =	vcvt.f32.s32 v29;
	v23 =	vadd.f32 $1.142857170e+01, v23;
	v8 =	vmin.f32 v8, $1.599999900e+01  }
0x5d: {  	s24 =	simm.s32 $0x8;
	s22 =	simm.s32 $0x80C0;
	[tilespmem:s23+$0x20] =	vst v26;
	v21 =	vtrunc.f32 v8;
	v22 =	vadd.f32 $1.142857170e+01, v22;
	v19 =	vadd.f32 v27, v19  }
0x5e: {  	s25 =	simm.s32 $0x140;
	s26 =	simm.s32 $0x80C0;
	s21 =	sor.u32 s5, s20;
	[tilespmem:s23+$0xFFFFFFC0] =	vst v63;
	v20 =	vand.u32 $0xF, v20;
	v11 =	vmin.f32 v23, $1.599999900e+01;
	v23 =	vcvt.f32.s32 v30  }
.LBB2_3:
0x5f: {  	v26 =	vld [tilespmem:s25+$0xFFFFFFD0];
	s24 =	sadd.s32 $0x8, s24;
	v25 =	vand.u32 $0xF, v25;
	v21 =	vcvt.f32.s32 v21;
	[tilespmem:s22+$0x20] =	vst v19;
	s26 =	sadd.s32 $0x80, s26;
	v19 =	vperm.xlane v1, v24  }
0x60: {  	v22 =	vmin.f32 v22, $1.599999900e+01;
	v24 =	vld [tilespmem:s25+$0x20];
	p1 =	slt.u32 s24, $0x3F8;
	v27 =	vperm.xlane v1, v25;
	v23 =	vand.u32 $0xF, v23  }
0x61: {  	v29 =	vperm.xlane v1, v20;
	v12 =	vand.u32 $0xF, v12;
	v30 =	vtrunc.f32 v22;
	v28 =	vld [tilespmem:s25+$0xFFFFFFC0]  }
0x62: {  	v32 =	vtrunc.f32 v11;
	v13 =	vadd.f32 v17, v13;
	v17 =	vperm.xlane v0, v12;
	v31 =	vld [tilespmem:s25+$0x30]  }
0x63: {  	v20 =	vperm.xlane v0, v20;
	v34 =	vperm.xlane v1, v23;
	v21 =	vand.u32 $0xF, v21;
	v33 =	vld [tilespmem:s25+$0xFFFFFFE0]  }
0x64: {  	v15 =	vadd.f32 v15, v4;
	v4 =	vmovc v29;
	v26 =	vmul.f32 $1.142857190e+00, v26;
	v35 =	vld [tilespmem:s25+$0xFFFFFFF0];
	[tilespmem:s23+$0x0] =	vst v13;
	v13 =	vperm.xlane v1, v12  }
0x65: {  	v14 =	vadd.f32 v16, v14;
	v23 =	vperm.xlane v0, v23;
	v36 =	vperm.xlane v0, v21;
	v29 =	vld [tilespmem:s25+$0x10]  }
0x66: {  	v12 =	vcvt.f32.s32 v30;
	v16 =	vmul.f32 $1.142857190e+00, v28;
	v28 =	vld [tilespmem:s25+$0x0];
	[tilespmem:s23+$0xFFFFFFF0] =	vst v15  }
0x67: {  	v18 =	vmul.f32 v2, v18;
	v2 =	vmovc v9;
	v24 =	vmul.f32 $1.142857190e+00, v24;
	v15 =	vadd.f32 $1.142857170e+01, v26;
	[tilespmem:s23+$0x10] =	vst v14  }
0x68: {  	v9 =	vadd.f32 $1.142857170e+01, v16;
	v14 =	vmul.f32 $1.142857190e+00, v33;
	v16 =	vmul.f32 v3, v17;
	v3 =	vmovc v22  }
0x69: {  	v18 =	vadd.f32 v18, v19;
	v22 =	vadd.f32 $1.142857170e+01, v24;
	v17 =	vmul.f32 $1.142857190e+00, v35  }
0x6a: {  	v24 =	vperm.xlane v0, v25;
	v19 =	vmin.f32 v9, $1.599999900e+01;
	v9 =	vadd.f32 $1.142857170e+01, v14  }
0x6b: {  	v22 =	vmin.f32 v22, $1.599999900e+01;
	v14 =	vcvt.f32.s32 v32;
	v25 =	vtrunc.f32 v19;
	[tilespmem:s23+$0xFFFFFFD0] =	vst v18  }
0x6c: {  	v16 =	vadd.f32 v16, v13;
	v18 =	vtrunc.f32 v22;
	v9 =	vmin.f32 v9, $1.599999900e+01  }
0x6d: {  	v13 =	vperm.xlane v1, v21;
	v14 =	vand.u32 $0xF, v14;
	v26 =	vtrunc.f32 v9  }
0x6e: {  	v23 =	vmul.f32 v6, v23;
	v17 =	vadd.f32 $1.142857170e+01, v17;
	v21 =	vmul.f32 $1.142857190e+00, v28;
	v6 =	vmovc v9;
	[tilespmem:s23+$0x30] =	vst v16;
	s23 =	smov.u32 s22;
	s22 =	smov.u32 s26  }
0x6f: {  	v9 =	vmin.f32 v15, $1.599999900e+01;
	v15 =	vcvt.f32.s32 v18;
	v16 =	vperm.xlane v0, v14  }
0x70: {  	v17 =	vmin.f32 v17, $1.599999900e+01;
	v18 =	vtrunc.f32 v9;
	v14 =	vperm.xlane v1, v14  }
0x71: {  	v28 =	vmul.f32 $1.142857190e+00, v29;
	v29 =	vand.u32 $0xF, v15;
	v15 =	vmul.f32 v7, v20;
	v7 =	vmovc v17  }
0x72: {  	v20 =	vadd.f32 v23, v34;
	v17 =	vperm.xlane v0, v29;
	v16 =	vmul.f32 v11, v16  }
0x73: {  	v24 =	vmul.f32 v5, v24;
	v5 =	vmovc v19;
	v23 =	vtrunc.f32 v7;
	v11 =	vadd.f32 $1.142857170e+01, v21  }
0x74: {  	v19 =	vadd.f32 $1.142857170e+01, v28;
	v22 =	vmul.f32 v22, v17;
	v17 =	vmul.f32 v8, v36;
	[tilespmem:s23+$0xFFFFFFE0] =	vst v20  }
.Ltmp0:
0x75: {  	v28 =	vmul.f32 $1.142857190e+00, v31;
	v8 =	vmin.f32 v11, $1.599999900e+01;
	v20 =	vperm.xlane v1, v29;
	(pc) =	sbr.rel @p1 .LBB2_3-.Ltmp0, $4  }
0x76: {  	v27 =	vadd.f32 v24, v27;
	v11 =	vmin.f32 v19, $1.599999900e+01;
	v21 =	vtrunc.f32 v8  }
0x77: {  	v29 =	vcvt.f32.s32 v23;
	v19 =	vadd.f32 v22, v20;
	v22 =	vadd.f32 $1.142857170e+01, v28  }
0x78: {  	v25 =	vcvt.f32.s32 v25;
	v24 =	vand.u32 $0xF, v10;
	v10 =	vcvt.f32.s32 v18  }
0x79: {  	s25 =	sadd.s32 $0x80, s25;
	v18 =	vperm.xlane v0, v24;
	v23 =	vcvt.f32.s32 v26;
	v20 =	vand.u32 $0xF, v29;
	[tilespmem:s23+$0xFFFFFFC0] =	vst v27  }
0x7a: {  	v21 =	vcvt.f32.s32 v21  }
0x7b: {  	v25 =	vand.u32 $0xF, v25;
	v24 =	vperm.xlane v1, v24;
	v27 =	vperm.xlane v1, v20  }
0x7c: {  	v22 =	vmin.f32 v22, $1.599999900e+01;
	v29 =	vtrunc.f32 v11;
	v52 =	vperm.xlane v0, v20  }
0x7d: {  	v12 =	vand.u32 $0xF, v12;
	v26 =	vperm.xlane v1, v25;
	v28 =	vtrunc.f32 v22  }
0x7e: {  	v13 =	vadd.f32 v17, v13;
	v30 =	vperm.xlane v0, v12;
	v12 =	vperm.xlane v1, v12  }
0x7f: {  	v60 =	vand.u32 $0xF, v10;
	v2 =	vmul.f32 v2, v18;
	v55 =	vcvt.f32.s32 v29  }
0x80: {  	v23 =	vand.u32 $0xF, v23;
	v56 =	vperm.xlane v0, v25;
	v61 =	vperm.xlane v0, v60  }
0x81: {  	v4 =	vadd.f32 v15, v4;
	v31 =	vperm.xlane v1, v23;
	v23 =	vperm.xlane v0, v23  }
0x82: {  	[tilespmem:s22+$0x20] =	vst v19;
	v21 =	vand.u32 $0xF, v21;
	v54 =	vcvt.f32.s32 v28;
	v7 =	vmul.f32 v7, v52  }
0x83: {  	v14 =	vadd.f32 v16, v14;
	[tilespmem:s23+$0x0] =	vst v13;
	v53 =	vperm.xlane v0, v21;
	v3 =	vmul.f32 v3, v30  }
0x84: {  	[tilespmem:s23+$0xFFFFFFF0] =	vst v4;
	v57 =	vperm.xlane v1, v21;
	v2 =	vadd.f32 v2, v24;
	v6 =	vmul.f32 v6, v23  }
0x85: {  	[tilespmem:s23+$0x10] =	vst v14;
	v18 =	vand.u32 $0xF, v55;
	v5 =	vmul.f32 v5, v56;
	v3 =	vadd.f32 v3, v12  }
0x86: {  	v58 =	vperm.xlane v0, v18;
	[tilespmem:s23+$0xFFFFFFD0] =	vst v2;
	v59 =	vmul.f32 v8, v53;
	v2 =	vadd.f32 v6, v31  }
0x87: {  	v18 =	vperm.xlane v1, v18;
	v62 =	vand.u32 $0xF, v54;
	[tilespmem:s23+$0x30] =	vst v3;
	v3 =	vadd.f32 v5, v26  }
0x88: {  	v63 =	vperm.xlane v0, v62;
	v4 =	vmul.f32 v11, v58;
	[tilespmem:s22+$0xFFFFFFE0] =	vst v2;
	v2 =	vadd.f32 v59, v57  }
0x89: {  	v7 =	vadd.f32 v7, v27;
	v5 =	vmul.f32 v9, v61;
	[tilespmem:s22+$0xFFFFFFC0] =	vst v3;
	v3 =	vperm.xlane v1, v60  }
0x8a: {  	p1 =	sne.s32 s18, $0xF;
	v6 =	vmul.f32 v22, v63;
	v4 =	vadd.f32 v4, v18;
	[tilespmem:s22+$0x0] =	vst v2;
	v2 =	vperm.xlane v1, v62  }
.Ltmp1:
0x8b: {  	[tilespmem:s22+$0xFFFFFFF0] =	vst v7;
	v3 =	vadd.f32 v5, v3;
	(pc) =	sbr.rel @p1 .LBB2_6-.Ltmp1, $4  }
0x8c: {  	[tilespmem:s22+$0x10] =	vst v4;
	v2 =	vadd.f32 v6, v2  }
0x8d: {  	s21 =	sshrl.u32 s21, $0x3;
	[tilespmem:s22+$0xFFFFFFD0] =	vst v3  }
0x8e: {  	s21 =	sadd.s32 s2, s21;
	[tilespmem:s22+$0x30] =	vst v2  }
0x8f: {  	[hbm4b:s21+s3] =	stream.linear.scatter [tilespmem:s12], [sflag:$0x3], $0x4000, $0x38;
	[tilespmem:$0x10000] =	vst v63  }
.Ltmp2:
0x90: {  	(pc) =	sbr.rel .LBB2_7-.Ltmp2, $4  }
0x91: {  	_ = 	snop  }
0x92: {  	_ =	swait.ge [sflag:s13], $0x4000  }
0x93: {  	[sflag:s13] =	ssyncset.done $0x0  }
0x94: {  	[sflag:s13] =	ssyncadd.s32 $0xFFFFC000  }
.LBB2_6:
0x95: {  	s20 =	sadd.s32 s20, s8  }
0x96: {  	s20 =	sshrl.u32 s20, $0x3  }
.Ltmp3:
0x97: {  	s20 =	sadd.s32 s1, s20;
	(pc) =	sbr.rel @p0 .LBB2_8-.Ltmp3, $4  }
0x98: {  	[tilespmem:s3], [sflag:$0x1] =	stream.linear.gather [hbm4b:s20+s3], $0x4000, $0x38;
	[tilespmem:$0x10000] =	vst v63  }
0x99: {  	_ =	swait.ge [sflag:s13], $0x4000  }
0x9a: {  	[sflag:s13] =	ssyncset.done $0x0  }
0x9b: {  	[sflag:s13] =	ssyncadd.s32 $0xFFFFC000  }
.LBB2_7:
0x9c: {  	_ =	swait.ge [sflag:s14], $0x4000  }
0x9d: {  	[sflag:s14] =	ssyncset.done $0x0  }
0x9e: {  	[sflag:s14] =	ssyncadd.s32 $0xFFFFC000  }
.LBB2_8:
0x9f: {  	s20 =	simm.s32 $0x4040  }
0xa0: {  	v2 =	vld [tilespmem:s20+$0xFFFFFFD0]  }
0xa1: {  	v3 =	vld [tilespmem:s20+$0x20]  }
0xa2: {  	v4 =	vld [tilespmem:s20+$0xFFFFFFC0]  }
0xa3: {  	v5 =	vld [tilespmem:s20+$0xFFFFFFE0]  }
0xa4: {  	v6 =	vld [tilespmem:s20+$0xFFFFFFF0]  }
0xa5: {  	v7 =	vld [tilespmem:s20+$0x0]  }
0xa6: {  	s31 =	simm.s32 $0x40C0;
	v8 =	vld [tilespmem:s20+$0x10]  }
0xa7: {  	v21 =	vld [tilespmem:s31+$0xFFFFFFE0]  }
0xa8: {  	v27 =	vld [tilespmem:s31+$0x0];
	v3 =	vmul.f32 $1.142857190e+00, v3;
	v4 =	vmul.f32 $1.142857190e+00, v4  }
0xa9: {  	v2 =	vmul.f32 $1.142857190e+00, v2;
	v5 =	vmul.f32 $1.142857190e+00, v5  }
0xaa: {  	v6 =	vmul.f32 $1.142857190e+00, v6;
	v7 =	vmul.f32 $1.142857190e+00, v7;
	v3 =	vadd.f32 $1.142857170e+01, v3  }
0xab: {  	v8 =	vmul.f32 $1.142857190e+00, v8;
	v4 =	vadd.f32 $1.142857170e+01, v4;
	v2 =	vadd.f32 $1.142857170e+01, v2  }
0xac: {  	v21 =	vmul.f32 $1.142857190e+00, v21;
	v5 =	vadd.f32 $1.142857170e+01, v5;
	v6 =	vadd.f32 $1.142857170e+01, v6  }
0xad: {  	v27 =	vmul.f32 $1.142857190e+00, v27;
	v7 =	vadd.f32 $1.142857170e+01, v7;
	v8 =	vadd.f32 $1.142857170e+01, v8  }
0xae: {  	v3 =	vmin.f32 v3, $1.599999900e+01;
	v10 =	vmin.f32 v4, $1.599999900e+01;
	v11 =	vmin.f32 v5, $1.599999900e+01  }
0xaf: {  	v2 =	vmin.f32 v2, $1.599999900e+01;
	v4 =	vtrunc.f32 v3;
	v9 =	vtrunc.f32 v10  }
0xb0: {  	v14 =	vmin.f32 v6, $1.599999900e+01;
	v12 =	vtrunc.f32 v11;
	v4 =	vcvt.f32.s32 v4  }
0xb1: {  	v5 =	vld [tilespmem:s20+$0x30];
	v8 =	vmin.f32 v8, $1.599999900e+01;
	v13 =	vtrunc.f32 v2;
	v15 =	vtrunc.f32 v14  }
0xb2: {  	v23 =	vtrunc.f32 v8;
	v9 =	vcvt.f32.s32 v9;
	v4 =	vand.u32 $0xF, v4  }
0xb3: {  	v19 =	vld [tilespmem:s31+$0x20];
	v18 =	vcvt.f32.s32 v13;
	v6 =	vperm.xlane v0, v4  }
0xb4: {  	v17 =	vmin.f32 v7, $1.599999900e+01;
	v12 =	vcvt.f32.s32 v12;
	v13 =	vld [tilespmem:s31+$0xFFFFFFC0];
	v7 =	vperm.xlane v1, v4  }
0xb5: {  	v4 =	vtrunc.f32 v17;
	v6 =	vmul.f32 v3, v6  }
0xb6: {  	v9 =	vand.u32 $0xF, v9;
	v3 =	vmul.f32 $1.142857190e+00, v5;
	v5 =	vcvt.f32.s32 v15  }
0xb7: {  	v12 =	vand.u32 $0xF, v12;
	v20 =	vperm.xlane v1, v9;
	v16 =	vcvt.f32.s32 v4;
	v15 =	vld [tilespmem:s31+$0xFFFFFFD0]  }
0xb8: {  	v24 =	vperm.xlane v1, v12;
	v5 =	vand.u32 $0xF, v5;
	v26 =	vadd.f32 v6, v7  }
0xb9: {  	v7 =	vmul.f32 $1.142857190e+00, v13;
	v13 =	vand.u32 $0xF, v16;
	v16 =	vmul.f32 $1.142857190e+00, v19  }
0xba: {  	v3 =	vadd.f32 $1.142857170e+01, v3;
	v4 =	vperm.xlane v1, v5;
	v25 =	vperm.xlane v0, v5;
	v5 =	vld [tilespmem:s31+$0xFFFFFFF0]  }
0xbb: {  	v19 =	vperm.xlane v0, v13;
	v13 =	vperm.xlane v1, v13  }
0xbc: {  	v3 =	vmin.f32 v3, $1.599999900e+01;
	v6 =	vmul.f32 $1.142857190e+00, v15;
	v15 =	vperm.xlane v0, v12  }
0xbd: {  	v7 =	vadd.f32 $1.142857170e+01, v7;
	v22 =	vtrunc.f32 v3;
	v17 =	vmul.f32 v17, v19  }
0xbe: {  	v12 =	vcvt.f32.s32 v22;
	v22 =	vadd.f32 $1.142857170e+01, v6;
	v11 =	vmul.f32 v11, v15  }
0xbf: {  	v6 =	vadd.f32 $1.142857170e+01, v16;
	v15 =	vmul.f32 v14, v25;
	v16 =	vmul.f32 $1.142857190e+00, v5  }
0xc0: {  	v5 =	vmin.f32 v7, $1.599999900e+01;
	v7 =	vadd.f32 $1.142857170e+01, v21;
	v21 =	vperm.xlane v0, v9  }
0xc1: {  	v9 =	vcvt.f32.s32 v23;
	v28 =	vmin.f32 v6, $1.599999900e+01;
	v29 =	vtrunc.f32 v5  }
0xc2: {  	v24 =	vadd.f32 v11, v24;
	v6 =	vmin.f32 v7, $1.599999900e+01;
	v7 =	vtrunc.f32 v28  }
0xc3: {  	v23 =	vld [tilespmem:s31+$0x10];
	v31 =	vand.u32 $0xF, v9;
	v16 =	vadd.f32 $1.142857170e+01, v16;
	v10 =	vmul.f32 v10, v21  }
0xc4: {  	v9 =	vmin.f32 v22, $1.599999900e+01;
	v30 =	vtrunc.f32 v6;
	v22 =	vcvt.f32.s32 v7  }
0xc5: {  	s21 =	simm.s32 $0xC040;
	v33 =	vld [tilespmem:s31+$0x30];
	v32 =	vperm.xlane v0, v31;
	v34 =	vtrunc.f32 v9  }
0xc6: {  	v14 =	vperm.xlane v1, v31;
	[tilespmem:s21+$0xFFFFFFE0] =	vst v24;
	v24 =	vand.u32 $0xF, v18;
	v7 =	vmin.f32 v16, $1.599999900e+01  }
0xc7: {  	v63 =	vadd.f32 v10, v20;
	v10 =	vcvt.f32.s32 v34;
	v18 =	vperm.xlane v0, v24  }
0xc8: {  	v23 =	vmul.f32 $1.142857190e+00, v23;
	v22 =	vand.u32 $0xF, v22;
	v16 =	vmul.f32 v8, v32  }
0xc9: {  	v25 =	vtrunc.f32 v7;
	v11 =	vperm.xlane v0, v22  }
0xca: {  	v8 =	vadd.f32 $1.142857170e+01, v27;
	v19 =	vperm.xlane v1, v22;
	v22 =	vmul.f32 $1.142857190e+00, v33  }
0xcb: {  	v20 =	vcvt.f32.s32 v25;
	v27 =	vmul.f32 v28, v11  }
0xcc: {  	v25 =	vcvt.f32.s32 v29;
	v23 =	vadd.f32 $1.142857170e+01, v23;
	v8 =	vmin.f32 v8, $1.599999900e+01  }
0xcd: {  	s22 =	simm.s32 $0x8;
	[tilespmem:s21+$0x20] =	vst v26;
	v21 =	vtrunc.f32 v8;
	v22 =	vadd.f32 $1.142857170e+01, v22;
	v19 =	vadd.f32 v27, v19  }
0xce: {  	s23 =	simm.s32 $0x4140;
	s24 =	simm.s32 $0xC0C0;
	s20 =	simm.s32 $0xC0C0;
	[tilespmem:s21+$0xFFFFFFC0] =	vst v63;
	v20 =	vand.u32 $0xF, v20;
	v11 =	vmin.f32 v23, $1.599999900e+01;
	v23 =	vcvt.f32.s32 v30  }
.LBB2_9:
0xcf: {  	v26 =	vld [tilespmem:s23+$0xFFFFFFD0];
	s22 =	sadd.s32 $0x8, s22;
	v25 =	vand.u32 $0xF, v25;
	v21 =	vcvt.f32.s32 v21;
	[tilespmem:s20+$0x20] =	vst v19;
	s24 =	sadd.s32 $0x80, s24;
	v19 =	vperm.xlane v1, v24  }
0xd0: {  	v22 =	vmin.f32 v22, $1.599999900e+01;
	v24 =	vld [tilespmem:s23+$0x20];
	p0 =	slt.u32 s22, $0x3F8;
	v27 =	vperm.xlane v1, v25;
	v23 =	vand.u32 $0xF, v23  }
0xd1: {  	v29 =	vperm.xlane v1, v20;
	v12 =	vand.u32 $0xF, v12;
	v30 =	vtrunc.f32 v22;
	v28 =	vld [tilespmem:s23+$0xFFFFFFC0]  }
0xd2: {  	v32 =	vtrunc.f32 v11;
	v13 =	vadd.f32 v17, v13;
	v17 =	vperm.xlane v0, v12;
	v31 =	vld [tilespmem:s23+$0x30]  }
0xd3: {  	v20 =	vperm.xlane v0, v20;
	v34 =	vperm.xlane v1, v23;
	v21 =	vand.u32 $0xF, v21;
	v33 =	vld [tilespmem:s23+$0xFFFFFFE0]  }
0xd4: {  	v15 =	vadd.f32 v15, v4;
	v4 =	vmovc v29;
	v26 =	vmul.f32 $1.142857190e+00, v26;
	v35 =	vld [tilespmem:s23+$0xFFFFFFF0];
	[tilespmem:s21+$0x0] =	vst v13;
	v13 =	vperm.xlane v1, v12  }
0xd5: {  	v14 =	vadd.f32 v16, v14;
	v23 =	vperm.xlane v0, v23;
	v36 =	vperm.xlane v0, v21;
	v29 =	vld [tilespmem:s23+$0x10]  }
0xd6: {  	v12 =	vcvt.f32.s32 v30;
	v16 =	vmul.f32 $1.142857190e+00, v28;
	v28 =	vld [tilespmem:s23+$0x0];
	[tilespmem:s21+$0xFFFFFFF0] =	vst v15  }
0xd7: {  	v18 =	vmul.f32 v2, v18;
	v2 =	vmovc v9;
	v24 =	vmul.f32 $1.142857190e+00, v24;
	v15 =	vadd.f32 $1.142857170e+01, v26;
	[tilespmem:s21+$0x10] =	vst v14  }
0xd8: {  	v9 =	vadd.f32 $1.142857170e+01, v16;
	v14 =	vmul.f32 $1.142857190e+00, v33;
	v16 =	vmul.f32 v3, v17;
	v3 =	vmovc v22  }
0xd9: {  	v18 =	vadd.f32 v18, v19;
	v22 =	vadd.f32 $1.142857170e+01, v24;
	v17 =	vmul.f32 $1.142857190e+00, v35  }
0xda: {  	v24 =	vperm.xlane v0, v25;
	v19 =	vmin.f32 v9, $1.599999900e+01;
	v9 =	vadd.f32 $1.142857170e+01, v14  }
0xdb: {  	v22 =	vmin.f32 v22, $1.599999900e+01;
	v14 =	vcvt.f32.s32 v32;
	v25 =	vtrunc.f32 v19;
	[tilespmem:s21+$0xFFFFFFD0] =	vst v18  }
0xdc: {  	v16 =	vadd.f32 v16, v13;
	v18 =	vtrunc.f32 v22;
	v9 =	vmin.f32 v9, $1.599999900e+01  }
0xdd: {  	v13 =	vperm.xlane v1, v21;
	v14 =	vand.u32 $0xF, v14;
	v26 =	vtrunc.f32 v9  }
0xde: {  	v23 =	vmul.f32 v6, v23;
	v17 =	vadd.f32 $1.142857170e+01, v17;
	v21 =	vmul.f32 $1.142857190e+00, v28;
	v6 =	vmovc v9;
	[tilespmem:s21+$0x30] =	vst v16;
	s21 =	smov.u32 s20;
	s20 =	smov.u32 s24  }
0xdf: {  	v9 =	vmin.f32 v15, $1.599999900e+01;
	v15 =	vcvt.f32.s32 v18;
	v16 =	vperm.xlane v0, v14  }
0xe0: {  	v17 =	vmin.f32 v17, $1.599999900e+01;
	v18 =	vtrunc.f32 v9;
	v14 =	vperm.xlane v1, v14  }
0xe1: {  	v28 =	vmul.f32 $1.142857190e+00, v29;
	v29 =	vand.u32 $0xF, v15;
	v15 =	vmul.f32 v7, v20;
	v7 =	vmovc v17  }
0xe2: {  	v20 =	vadd.f32 v23, v34;
	v17 =	vperm.xlane v0, v29;
	v16 =	vmul.f32 v11, v16  }
0xe3: {  	v24 =	vmul.f32 v5, v24;
	v5 =	vmovc v19;
	v23 =	vtrunc.f32 v7;
	v11 =	vadd.f32 $1.142857170e+01, v21  }
0xe4: {  	v19 =	vadd.f32 $1.142857170e+01, v28;
	v22 =	vmul.f32 v22, v17;
	v17 =	vmul.f32 v8, v36;
	[tilespmem:s21+$0xFFFFFFE0] =	vst v20  }
.Ltmp4:
0xe5: {  	v28 =	vmul.f32 $1.142857190e+00, v31;
	v8 =	vmin.f32 v11, $1.599999900e+01;
	v20 =	vperm.xlane v1, v29;
	(pc) =	sbr.rel @p0 .LBB2_9-.Ltmp4, $4  }
0xe6: {  	v27 =	vadd.f32 v24, v27;
	v11 =	vmin.f32 v19, $1.599999900e+01;
	v21 =	vtrunc.f32 v8  }
0xe7: {  	v29 =	vcvt.f32.s32 v23;
	v19 =	vadd.f32 v22, v20;
	v22 =	vadd.f32 $1.142857170e+01, v28  }
0xe8: {  	v25 =	vcvt.f32.s32 v25;
	v24 =	vand.u32 $0xF, v10;
	v10 =	vcvt.f32.s32 v18  }
0xe9: {  	s23 =	sadd.s32 $0x80, s23;
	v18 =	vperm.xlane v0, v24;
	v23 =	vcvt.f32.s32 v26;
	v20 =	vand.u32 $0xF, v29;
	[tilespmem:s21+$0xFFFFFFC0] =	vst v27  }
0xea: {  	v21 =	vcvt.f32.s32 v21  }
0xeb: {  	v25 =	vand.u32 $0xF, v25;
	v24 =	vperm.xlane v1, v24;
	v27 =	vperm.xlane v1, v20  }
0xec: {  	v22 =	vmin.f32 v22, $1.599999900e+01;
	v29 =	vtrunc.f32 v11;
	v52 =	vperm.xlane v0, v20  }
0xed: {  	v12 =	vand.u32 $0xF, v12;
	v26 =	vperm.xlane v1, v25;
	v28 =	vtrunc.f32 v22  }
0xee: {  	v13 =	vadd.f32 v17, v13;
	v30 =	vperm.xlane v0, v12;
	v12 =	vperm.xlane v1, v12  }
0xef: {  	v60 =	vand.u32 $0xF, v10;
	v2 =	vmul.f32 v2, v18;
	v55 =	vcvt.f32.s32 v29  }
0xf0: {  	v23 =	vand.u32 $0xF, v23;
	v56 =	vperm.xlane v0, v25;
	v61 =	vperm.xlane v0, v60  }
0xf1: {  	v4 =	vadd.f32 v15, v4;
	v31 =	vperm.xlane v1, v23;
	v23 =	vperm.xlane v0, v23  }
0xf2: {  	[tilespmem:s20+$0x20] =	vst v19;
	v21 =	vand.u32 $0xF, v21;
	v54 =	vcvt.f32.s32 v28;
	v7 =	vmul.f32 v7, v52  }
0xf3: {  	v14 =	vadd.f32 v16, v14;
	[tilespmem:s21+$0x0] =	vst v13;
	v53 =	vperm.xlane v0, v21;
	v3 =	vmul.f32 v3, v30  }
0xf4: {  	[tilespmem:s21+$0xFFFFFFF0] =	vst v4;
	v57 =	vperm.xlane v1, v21;
	v2 =	vadd.f32 v2, v24;
	v6 =	vmul.f32 v6, v23  }
0xf5: {  	[tilespmem:s21+$0x10] =	vst v14;
	v18 =	vand.u32 $0xF, v55;
	v5 =	vmul.f32 v5, v56;
	v3 =	vadd.f32 v3, v12  }
0xf6: {  	v58 =	vperm.xlane v0, v18;
	[tilespmem:s21+$0xFFFFFFD0] =	vst v2;
	v59 =	vmul.f32 v8, v53;
	v2 =	vadd.f32 v6, v31  }
0xf7: {  	v18 =	vperm.xlane v1, v18;
	v62 =	vand.u32 $0xF, v54;
	[tilespmem:s21+$0x30] =	vst v3;
	v3 =	vadd.f32 v5, v26  }
0xf8: {  	v63 =	vperm.xlane v0, v62;
	v4 =	vmul.f32 v11, v58;
	[tilespmem:s20+$0xFFFFFFE0] =	vst v2;
	v2 =	vadd.f32 v59, v57  }
0xf9: {  	s18 =	sadd.s32 $0x1, s18;
	v7 =	vadd.f32 v7, v27;
	v5 =	vmul.f32 v9, v61;
	[tilespmem:s20+$0xFFFFFFC0] =	vst v3;
	v3 =	vperm.xlane v1, v60  }
0xfa: {  	p0 =	sne.s32 s18, $0x10;
	v6 =	vmul.f32 v22, v63;
	v4 =	vadd.f32 v4, v18;
	[tilespmem:s20+$0x0] =	vst v2;
	v2 =	vperm.xlane v1, v62  }
.Ltmp5:
0xfb: {  	[tilespmem:s20+$0xFFFFFFF0] =	vst v7;
	v3 =	vadd.f32 v5, v3;
	(pc) =	sbr.rel @p0 .LBB2_2-.Ltmp5, $4  }
0xfc: {  	[tilespmem:s20+$0x10] =	vst v4;
	v2 =	vadd.f32 v6, v2  }
0xfd: {  	[tilespmem:s20+$0xFFFFFFD0] =	vst v3  }
0xfe: {  	s19 =	sadd.s32 s2, s19;
	[tilespmem:s20+$0x30] =	vst v2  }
0xff: {  	[hbm4b:s19+s3] =	stream.linear.scatter [tilespmem:s15], [sflag:$0x4], $0x4000, $0x38;
	[tilespmem:$0x10000] =	vst v63  }
0x100: {  	s17 =	sadd.s32 $0x1, s17  }
0x101: {  	_ =	swait.ge [sflag:s16], $0x4000;
	p0 =	sne.s32 s17, s9  }
.Ltmp6:
0x102: {  	[sflag:s16] =	ssyncset.done $0x0;
	(pc) =	sbr.rel @p0 .LBB2_1-.Ltmp6, $4  }
0x103: {  	[sflag:s16] =	ssyncadd.s32 $0xFFFFC000  }
0x104: {  	_ =	swait.ge [sflag:s14], $0x4000  }
0x105: {  	[sflag:s14] =	ssyncset.done $0x0  }
0x106: {  	[sflag:s14] =	ssyncadd.s32 $0xFFFFC000  }
0x107: {  	_ =	sfence.sel $0x180000  }
0x108: {  	[bflag:$0x0] =	sbarrier.arrive $0xFFFF  }
0x109: {  	p0 =	sne.s32 s4, $0x0;
	_ =	strace $0x90000047  }
0x10a: {  	s0 =	sadd.s32 @!p0 $0x100000, s0;
	[bflag:$0x2] =	sbarrier.arrive $0xFFFF  }
0x10b: {  	[sflag:s0] =	ssyncadd.tile.s32 @!p0 $0x1;
	_ =	shalt  }
.Lfunc_end2:
_tile_overlayer_lowered:
.L_overlay_start_2:
0x10c: {  	(tag) =	ssettag $0x2  }
0x10d: {  	s0 =	rddreg [dreg:$0x0];
	s2 =	stileid.u32  }
0x10e: {  	s1 =	rddreg [dreg:$0x1];
	p0 =	sne.s32 s2, $0x0  }
0x10f: {  	s3 =	rddreg [dreg:$0x2];
	[bflag:$0x3] =	sbarrier.arrive $0xFFFF;
	s2 =	simm.s32 @!p0 $0x1C05  }
0x110: {  	[timem:s3], [sflag:s2] =	dma.local @!p0 [hbm:s0], s1  }
0x111: {  	s0 =	simm.s32 @!p0 $0x5  }
0x112: {  	_ =	swait.ge @!p0 [sflag:s0], s1  }
0x113: {  	s1 =	ssub.s32 @!p0 $0x0, s1;
	[sflag:s0] =	ssyncset.done @!p0 $0x0  }
0x114: {  	[sflag:s0] =	ssyncadd.s32 @!p0 s1  }
0x115: {  	[bflag:$0x3] =	sbarrier.arrive $0xFFFF  }
0x116: {  	_ =	shalt  }

</sc_bundles>
